<compile_context>
chip_gen: v7x
topology: tpu7x:2x2x1
jax: 0.10.2.dev20260603
libtpu: 0.0.44.dev20260713+nightly
codegen_flags: <defaults>
</compile_context>

<pallas_src>
import functools

import jax
import jax.numpy as jnp
import numpy as np
from jax import lax
from jax.experimental import pallas as pl
from jax.experimental.pallas import tpu as pltpu
from jax.experimental.pallas import tpu_sc as plsc

_NC = 2
_NS = 16
_NW = _NC * _NS


def _sc_gather(idxr, emb, TB, D):
    NBLK = idxr.shape[1]
    per_w = NBLK * 128

    mesh = plsc.VectorSubcoreMesh(core_axis_name="c", subcore_axis_name="s")

    @functools.partial(
        pl.kernel,
        out_type=jax.ShapeDtypeStruct((TB, D), jnp.float32),
        mesh=mesh,
        scratch_types=[
            pltpu.VMEM((NBLK, 128), jnp.int32),
            pltpu.VMEM((128, D), jnp.float32),
            pltpu.VMEM((128, D), jnp.float32),
            pltpu.SemaphoreType.DMA,
            pltpu.SemaphoreType.DMA,
        ],
    )
    def gather_k(idx_hbm, emb_hbm, out_hbm, idx_v, rows_a, rows_b, sem_a,
                 sem_b):
        wid = lax.axis_index("s") * _NC + lax.axis_index("c")
        base = wid * per_w
        pltpu.sync_copy(idx_hbm.at[wid], idx_v)

        pltpu.async_copy(emb_hbm.at[idx_v.at[0]], rows_a, sem_a)

        def body(i, carry):
            j0 = 2 * i
            j1 = j0 + 1
            pltpu.async_copy(emb_hbm.at[idx_v.at[j1]], rows_b, sem_b)
            pltpu.make_async_copy(emb_hbm.at[idx_v.at[j0]], rows_a,
                                  sem_a).wait()
            pltpu.sync_copy(rows_a, out_hbm.at[pl.ds(base + j0 * 128, 128)])

            @pl.when(j1 + 1 < NBLK)
            def _():
                pltpu.async_copy(emb_hbm.at[idx_v.at[j1 + 1]], rows_a, sem_a)

            pltpu.make_async_copy(emb_hbm.at[idx_v.at[j1]], rows_b,
                                  sem_b).wait()
            pltpu.sync_copy(rows_b, out_hbm.at[pl.ds(base + j1 * 128, 128)])
            return carry

        lax.fori_loop(0, NBLK // 2, body, 0)

    return gather_k(idxr, emb)


def _pack_weights(Wf, Wb, Uf, Ub, bf, bb, U):
    def inter(Mf, Mb):
        R = Mf.shape[0]
        return jnp.concatenate(
            [Mf.reshape(R, 4, U), Mb.reshape(R, 4, U)], axis=2
        ).reshape(R, 8 * U)

    Wcat = jnp.concatenate([
        inter(Wf, jnp.zeros_like(Wf)),
        inter(jnp.zeros_like(Wb), Wb),
    ], axis=0)
    Ucat = jnp.concatenate([
        inter(Uf, jnp.zeros_like(Uf)),
        inter(jnp.zeros_like(Ub), Ub),
    ], axis=0)
    bc = jnp.concatenate(
        [bf.reshape(4, U), bb.reshape(4, U)], axis=1).reshape(1, 8 * U)
    return Wcat, Ucat, bc


def _sigmoid(x):
    return 0.5 + 0.5 * jnp.tanh(0.5 * x)


def _gates(Z, C, U):
    H2 = 2 * U
    I = _sigmoid(Z[:, 0:H2])
    F = _sigmoid(Z[:, H2:2 * H2])
    G = jnp.tanh(Z[:, 2 * H2:3 * H2])
    O = _sigmoid(Z[:, 3 * H2:4 * H2])
    Cn = F * C + I * G
    Hn = O * jnp.tanh(Cn)
    return Hn, Cn


def _layer1(xe, W1, U1, bc1, B, T, D, U):
    H2 = 2 * U

    def body(xf_ref, xb_ref, w_ref, u_ref, b_ref, hf_ref, hb_ref, Hs, Cs):
        s = pl.program_id(0)

        @pl.when(s == 0)
        def _():
            Hs[...] = jnp.zeros_like(Hs)
            Cs[...] = jnp.zeros_like(Cs)

        X = jnp.concatenate([xf_ref[0], xb_ref[0]], axis=1)
        Z = (jnp.dot(X, w_ref[...], preferred_element_type=jnp.float32)
             + jnp.dot(Hs[...], u_ref[...], preferred_element_type=jnp.float32)
             + b_ref[...])
        Hn, Cn = _gates(Z, Cs[...], U)
        Cs[...] = Cn
        Hs[...] = Hn
        Hb = Hn.astype(jnp.bfloat16)
        hf_ref[0] = Hb[:, 0:U]
        hb_ref[0] = Hb[:, U:H2]

    return pl.pallas_call(
        body,
        grid=(T,),
        in_specs=[
            pl.BlockSpec((1, B, D), lambda s: (s, 0, 0)),
            pl.BlockSpec((1, B, D), lambda s: (T - 1 - s, 0, 0)),
            pl.BlockSpec(W1.shape, lambda s: (0, 0)),
            pl.BlockSpec(U1.shape, lambda s: (0, 0)),
            pl.BlockSpec((1, 4 * H2), lambda s: (0, 0)),
        ],
        out_specs=[
            pl.BlockSpec((1, B, U), lambda s: (s, 0, 0)),
            pl.BlockSpec((1, B, U), lambda s: (T - 1 - s, 0, 0)),
        ],
        out_shape=[
            jax.ShapeDtypeStruct((T, B, U), jnp.bfloat16),
            jax.ShapeDtypeStruct((T, B, U), jnp.bfloat16),
        ],
        scratch_shapes=[
            pltpu.VMEM((B, H2), jnp.float32),
            pltpu.VMEM((B, H2), jnp.float32),
        ],
        compiler_params=pltpu.CompilerParams(
            dimension_semantics=("arbitrary",)),
    )(xe, xe, W1, U1, bc1)


def _layer2_dense(h1f, h1b, W2, U2, bc2, Wdf, Wdb, bdp, B, T, U):
    H2 = 2 * U

    def body(hfs_ref, hbs_ref, hfr_ref, hbr_ref, w_ref, u_ref, b_ref,
             wdf_ref, wdb_ref, bd_ref, out_ref, Hs, Cs, Acc):
        s = pl.program_id(0)

        @pl.when(s == 0)
        def _():
            Hs[...] = jnp.zeros_like(Hs)
            Cs[...] = jnp.zeros_like(Cs)
            Acc[...] = jnp.zeros_like(Acc)

        X = jnp.concatenate(
            [hfs_ref[0], hbs_ref[0], hfr_ref[0], hbr_ref[0]],
            axis=1).astype(jnp.float32)
        Z = (jnp.dot(X, w_ref[...], preferred_element_type=jnp.float32)
             + jnp.dot(Hs[...], u_ref[...], preferred_element_type=jnp.float32)
             + b_ref[...])
        Hn, Cn = _gates(Z, Cs[...], U)
        Cs[...] = Cn
        Hs[...] = Hn
        Wds = jnp.concatenate([wdf_ref[0], wdb_ref[0]], axis=0)
        Acc[...] += jnp.dot(Hn.astype(jnp.bfloat16), Wds,
                            preferred_element_type=jnp.float32)

        @pl.when(s == T - 1)
        def _():
            z = Acc[...] + bd_ref[...]
            lane = lax.broadcasted_iota(jnp.int32, z.shape, 1)
            valid = lane < 3
            zm = jnp.where(valid, z, -jnp.inf)
            m = jnp.max(zm, axis=1, keepdims=True)
            e = jnp.where(valid, jnp.exp(zm - m), 0.0)
            out_ref[...] = e / jnp.sum(e, axis=1, keepdims=True)

    return pl.pallas_call(
        body,
        grid=(T,),
        in_specs=[
            pl.BlockSpec((1, B, U), lambda s: (s, 0, 0)),
            pl.BlockSpec((1, B, U), lambda s: (s, 0, 0)),
            pl.BlockSpec((1, B, U), lambda s: (T - 1 - s, 0, 0)),
            pl.BlockSpec((1, B, U), lambda s: (T - 1 - s, 0, 0)),
            pl.BlockSpec(W2.shape, lambda s: (0, 0)),
            pl.BlockSpec(U2.shape, lambda s: (0, 0)),
            pl.BlockSpec((1, 4 * H2), lambda s: (0, 0)),
            pl.BlockSpec((1, U, 128), lambda s: (s, 0, 0)),
            pl.BlockSpec((1, U, 128), lambda s: (T - 1 - s, 0, 0)),
            pl.BlockSpec((1, 128), lambda s: (0, 0)),
        ],
        out_specs=pl.BlockSpec((B, 128), lambda s: (0, 0)),
        out_shape=jax.ShapeDtypeStruct((B, 128), jnp.float32),
        scratch_shapes=[
            pltpu.VMEM((B, H2), jnp.float32),
            pltpu.VMEM((B, H2), jnp.float32),
            pltpu.VMEM((B, 128), jnp.float32),
        ],
        compiler_params=pltpu.CompilerParams(
            dimension_semantics=("arbitrary",)),
    )(h1f, h1b, h1f, h1b, W2, U2, bc2, Wdf, Wdb, bdp)


def kernel(x, emb, W1f, U1f, b1f, W1b, U1b, b1b,
           W2f, U2f, b2f, W2b, U2b, b2b, Wd, bd):
    B, T = x.shape
    V, D = emb.shape
    U = U1f.shape[0]
    TB = T * B
    NBLK = TB // (_NW * 128)

    idxr = x.T.reshape(_NW, NBLK, 128)
    xe = _sc_gather(idxr, emb, TB, D).reshape(T, B, D)

    Wc1, Uc1, bc1 = _pack_weights(W1f, W1b, U1f, U1b, b1f, b1b, U)
    Wc2, Uc2, bc2 = _pack_weights(W2f, W2b, U2f, U2b, b2f, b2b, U)
    Wd3 = Wd.reshape(T, 2 * U, 3).astype(jnp.bfloat16)
    Wdf = jnp.zeros((T, U, 128), jnp.bfloat16).at[:, :, 0:3].set(Wd3[:, 0:U, :])
    Wdb = jnp.zeros((T, U, 128), jnp.bfloat16).at[:, :, 0:3].set(Wd3[:, U:, :])
    bdp = jnp.zeros((1, 128), jnp.float32).at[0, 0:3].set(bd)

    h1f, h1b = _layer1(xe, Wc1, Uc1, bc1, B, T, D, U)
    probs_pad = _layer2_dense(h1f, h1b, Wc2, Uc2, bc2, Wdf, Wdb, bdp, B, T, U)
    return probs_pad[:, 0:3]

# --- scband reference (transcript-rebuilt; emitter-appended) ---
"""Pipeline reference for scband-lstmmodel-16192026706604 (READ-ONLY COPY).

The authoritative reference and input builder live on the scoring server;
editing this copy changes nothing except your own understanding.
"""

import jax, jax.numpy as jnp
import numpy as np

B, T, V, D, U = 1024, 200, 100000, 128, 64

def setup_inputs(seed: int = 0):
    key = jax.random.key(seed)
    ks = jax.random.split(key, 20)
    def p(k, shape, scale=0.05):
        return jax.random.normal(k, shape, dtype=jnp.float32) * scale
    inp = {}
    inp['x'] = jax.random.randint(ks[0], (B, T), 0, V, dtype=jnp.int32)
    inp['emb'] = p(ks[1], (V, D))
    # BiLSTM 1: input dim D, units U (keras gate order i,f,c,o packed in 4*U)
    inp['W1f'] = p(ks[2], (D, 4 * U)); inp['U1f'] = p(ks[3], (U, 4 * U)); inp['b1f'] = jnp.zeros((4 * U,), jnp.float32)
    inp['W1b'] = p(ks[4], (D, 4 * U)); inp['U1b'] = p(ks[5], (U, 4 * U)); inp['b1b'] = jnp.zeros((4 * U,), jnp.float32)
    # BiLSTM 2: input dim 2*U (concat), units U
    inp['W2f'] = p(ks[6], (2 * U, 4 * U)); inp['U2f'] = p(ks[7], (U, 4 * U)); inp['b2f'] = jnp.zeros((4 * U,), jnp.float32)
    inp['W2b'] = p(ks[8], (2 * U, 4 * U)); inp['U2b'] = p(ks[9], (U, 4 * U)); inp['b2b'] = jnp.zeros((4 * U,), jnp.float32)
    # Dense: Flatten([B, T, 2U]) -> 3 classes
    inp['Wd'] = p(ks[10], (T * 2 * U, 3)); inp['bd'] = jnp.zeros((3,), jnp.float32)
    return inp

def _lstm(x, W, Uk, b):
    # x: [B, T, D_in] -> hs: [B, T, U]; keras LSTM, gates order i,f,c,o
    bsz = x.shape[0]
    units = Uk.shape[0]
    def step(carry, xt):
        h, c = carry
        z = xt @ W + h @ Uk + b
        i, f, g, o = jnp.split(z, 4, axis=-1)
        i = jax.nn.sigmoid(i); f = jax.nn.sigmoid(f)
        g = jnp.tanh(g); o = jax.nn.sigmoid(o)
        c = f * c + i * g
        h = o * jnp.tanh(c)
        return (h, c), h
    init = (jnp.zeros((bsz, units), x.dtype), jnp.zeros((bsz, units), x.dtype))
    xs = jnp.swapaxes(x, 0, 1)
    _, hs = jax.lax.scan(step, init, xs)
    return jnp.swapaxes(hs, 0, 1)

def _bidir(x, Wf, Uf, bf, Wb, Ub, bb):
    fwd = _lstm(x, Wf, Uf, bf)
    bwd = _lstm(x[:, ::-1, :], Wb, Ub, bb)[:, ::-1, :]
    return jnp.concatenate([fwd, bwd], axis=-1)

def reference(x, emb, W1f, U1f, b1f, W1b, U1b, b1b, W2f, U2f, b2f, W2b, U2b, b2b, Wd, bd):
    h = jnp.take(emb, x, axis=0)          # Embedding; Dropout is identity at inference
    h = _bidir(h, W1f, U1f, b1f, W1b, U1b, b1b)
    h = _bidir(h, W2f, U2f, b2f, W2b, U2b, b2b)
    h = h.reshape(h.shape[0], -1)          # Flatten
    logits = h @ Wd + bd
    return jax.nn.softmax(logits, axis=-1)

if __name__ == "__main__":
    import jax
    _d = setup_inputs()
    print(jax.jit(kernel)(*tuple(_d.values())))

</pallas_src>

<mosaic_0001>
#map = affine_map<(d0, d1) -> (0, 0, 0)>
#map1 = affine_map<(d0, d1) -> (0, 0)>
module attributes {stable_mosaic.version = 14 : i64} {
  func.func @gather_k(%arg0: i32, %arg1: i32, %arg2: memref<32x50x128xi32, #tpu.memory_space<hbm>>, %arg3: memref<100000x128xf32, #tpu.memory_space<hbm>>, %arg4: memref<204800x128xf32, #tpu.memory_space<hbm>>, %arg5: memref<50x128xi32, #tpu.memory_space<vmem>>, %arg6: memref<128x128xf32, #tpu.memory_space<vmem>>, %arg7: memref<128x128xf32, #tpu.memory_space<vmem>>, %arg8: memref<!tpu.dma_semaphore, #tpu.memory_space<semaphore_mem>>, %arg9: memref<!tpu.dma_semaphore, #tpu.memory_space<semaphore_mem>>) attributes {dimension_semantics = [#tpu.dimension_semantics<core_parallel>, #tpu.dimension_semantics<subcore_parallel>], iteration_bounds = array<i64: 2, 16>, scalar_prefetch = 0 : i64, scratch_operands = 5 : i64, tpu.core_type = #tpu.core_type<sc_vector_subcore>, window_params = [{transform_indices = #map}, {transform_indices = #map1}, {transform_indices = #map1}]} {
    %mul3A = arith.constant 2 : i32
    %mul3A_0 = arith.muli %arg1, %mul3A : i32
    %add3A = arith.addi %mul3A_0, %arg0 : i32
    %mul3A_1 = arith.constant 6400 : i32
    %mul3A_2 = arith.muli %add3A, %mul3A_1 : i32
    "tpu.region"() ({
      %run_scoped3A = tpu.sem_alloc : memref<!tpu.dma_semaphore, #tpu.memory_space<semaphore_mem>>
      %dma_start3A_14 = arith.constant 0 : i32
      %dma_start3A_15 = arith.constant 0 : i32
      %dma_start3A_16 = tpu.memref_slice %arg2[%add3A, %dma_start3A_14, %dma_start3A_15] : memref<32x50x128xi32, #tpu.memory_space<hbm>> -> memref<1x50x128xi32, #tpu.memory_space<hbm>>
      %dma_start3A_17 = tpu.memref_squeeze %dma_start3A_16 : memref<1x50x128xi32, #tpu.memory_space<hbm>> -> memref<50x128xi32, #tpu.memory_space<hbm>>
      %dma_start3A_18 = arith.constant 0 : i32
      %dma_start3A_19 = arith.constant 0 : i32
      %dma_start3A_20 = tpu.memref_slice %arg2[%add3A, %dma_start3A_18, %dma_start3A_19] : memref<32x50x128xi32, #tpu.memory_space<hbm>> -> memref<1x50x128xi32, #tpu.memory_space<hbm>>
      %dma_start3A_21 = tpu.memref_squeeze %dma_start3A_20 : memref<1x50x128xi32, #tpu.memory_space<hbm>> -> memref<50x128xi32, #tpu.memory_space<hbm>>
      tpu.enqueue_dma source(%dma_start3A_21 : memref<50x128xi32, #tpu.memory_space<hbm>>) target(%arg5 : memref<50x128xi32, #tpu.memory_space<vmem>>) target_semaphore(%run_scoped3A : memref<!tpu.dma_semaphore, #tpu.memory_space<semaphore_mem>>)
      %dma_wait3A = arith.constant 0 : i32
      %dma_wait3A_22 = arith.constant 0 : i32
      %dma_wait3A_23 = tpu.memref_slice %arg2[%add3A, %dma_wait3A, %dma_wait3A_22] : memref<32x50x128xi32, #tpu.memory_space<hbm>> -> memref<1x50x128xi32, #tpu.memory_space<hbm>>
      %dma_wait3A_24 = tpu.memref_squeeze %dma_wait3A_23 : memref<1x50x128xi32, #tpu.memory_space<hbm>> -> memref<50x128xi32, #tpu.memory_space<hbm>>
      %dma_wait3A_25 = arith.constant 0 : i32
      %dma_wait3A_26 = arith.constant 0 : i32
      %dma_wait3A_27 = tpu.memref_slice %arg2[%add3A, %dma_wait3A_25, %dma_wait3A_26] : memref<32x50x128xi32, #tpu.memory_space<hbm>> -> memref<1x50x128xi32, #tpu.memory_space<hbm>>
      %dma_wait3A_28 = tpu.memref_squeeze %dma_wait3A_27 : memref<1x50x128xi32, #tpu.memory_space<hbm>> -> memref<50x128xi32, #tpu.memory_space<hbm>>
      tpu.wait_dma2 semaphore(%run_scoped3A : memref<!tpu.dma_semaphore, #tpu.memory_space<semaphore_mem>>) src(%dma_wait3A_28 : memref<50x128xi32, #tpu.memory_space<hbm>>) dst(%arg5 : memref<50x128xi32, #tpu.memory_space<vmem>>)
      tpu.yield
    }) : () -> ()
    %dma_start3A = arith.constant 0 : i32
    %dma_start3A_3 = arith.constant 0 : i32
    %dma_start3A_4 = tpu.memref_slice %arg5[%dma_start3A, %dma_start3A_3] : memref<50x128xi32, #tpu.memory_space<vmem>> -> memref<1x128xi32, #tpu.memory_space<vmem>>
    %dma_start3A_5 = tpu.memref_squeeze %dma_start3A_4 : memref<1x128xi32, #tpu.memory_space<vmem>> -> memref<128xi32, #tpu.memory_space<vmem>>
    %dma_start3A_6 = arith.constant 0 : i32
    %dma_start3A_7 = arith.constant 0 : i32
    %dma_start3A_8 = tpu.memref_slice %arg3[%dma_start3A_6, %dma_start3A_7] : memref<100000x128xf32, #tpu.memory_space<hbm>> -> memref<100000x128xf32, #tpu.memory_space<hbm>>
    tpu.enqueue_indirect_dma source(%dma_start3A_8 : memref<100000x128xf32, #tpu.memory_space<hbm>>) target(%arg6 : memref<128x128xf32, #tpu.memory_space<vmem>>) offsets(%dma_start3A_5 : memref<128xi32, #tpu.memory_space<vmem>>) semaphore(%arg8 : memref<!tpu.dma_semaphore, #tpu.memory_space<semaphore_mem>>)
    %scan3A = arith.constant 0 : i32
    %scan3A_9 = arith.constant 0 : i32
    %scan3A_10 = arith.constant 25 : i32
    %scan3A_11 = arith.addi %scan3A_9, %scan3A_10 : i32
    %scan3A_12 = arith.constant 1 : i32
    scf.for %scan3A_14 = %scan3A_9 to %scan3A_11 step %scan3A_12  : i32 {
      %mul3A_15 = arith.constant 2 : i32
      %mul3A_16 = arith.muli %mul3A_15, %scan3A_14 : i32
      %add3A_17 = arith.constant 1 : i32
      %add3A_18 = arith.addi %mul3A_16, %add3A_17 : i32
      %dma_start3A_19 = arith.constant 0 : i32
      %dma_start3A_20 = tpu.memref_slice %arg5[%add3A_18, %dma_start3A_19] : memref<50x128xi32, #tpu.memory_space<vmem>> -> memref<1x128xi32, #tpu.memory_space<vmem>>
      %dma_start3A_21 = tpu.memref_squeeze %dma_start3A_20 : memref<1x128xi32, #tpu.memory_space<vmem>> -> memref<128xi32, #tpu.memory_space<vmem>>
      %dma_start3A_22 = arith.constant 0 : i32
      %dma_start3A_23 = arith.constant 0 : i32
      %dma_start3A_24 = tpu.memref_slice %arg3[%dma_start3A_22, %dma_start3A_23] : memref<100000x128xf32, #tpu.memory_space<hbm>> -> memref<100000x128xf32, #tpu.memory_space<hbm>>
      tpu.enqueue_indirect_dma source(%dma_start3A_24 : memref<100000x128xf32, #tpu.memory_space<hbm>>) target(%arg7 : memref<128x128xf32, #tpu.memory_space<vmem>>) offsets(%dma_start3A_21 : memref<128xi32, #tpu.memory_space<vmem>>) semaphore(%arg9 : memref<!tpu.dma_semaphore, #tpu.memory_space<semaphore_mem>>)
      %dma_wait3A = arith.constant 0 : i32
      %dma_wait3A_25 = tpu.memref_slice %arg5[%mul3A_16, %dma_wait3A] : memref<50x128xi32, #tpu.memory_space<vmem>> -> memref<1x128xi32, #tpu.memory_space<vmem>>
      %dma_wait3A_26 = tpu.memref_squeeze %dma_wait3A_25 : memref<1x128xi32, #tpu.memory_space<vmem>> -> memref<128xi32, #tpu.memory_space<vmem>>
      %dma_wait3A_27 = arith.constant 0 : i32
      %dma_wait3A_28 = arith.constant 0 : i32
      %dma_wait3A_29 = tpu.memref_slice %arg3[%dma_wait3A_27, %dma_wait3A_28] : memref<100000x128xf32, #tpu.memory_space<hbm>> -> memref<100000x128xf32, #tpu.memory_space<hbm>>
      tpu.wait_indirect_dma semaphore(%arg8 : memref<!tpu.dma_semaphore, #tpu.memory_space<semaphore_mem>>) src(%dma_wait3A_29 : memref<100000x128xf32, #tpu.memory_space<hbm>>) dst(%arg6 : memref<128x128xf32, #tpu.memory_space<vmem>>)
      %mul3A_30 = arith.constant 128 : i32
      %mul3A_31 = arith.muli %mul3A_16, %mul3A_30 : i32
      %add3A_32 = arith.addi %mul3A_2, %mul3A_31 : i32
      "tpu.region"() ({
        %run_scoped3A = tpu.sem_alloc : memref<!tpu.dma_semaphore, #tpu.memory_space<semaphore_mem>>
        %dma_start3A_46 = arith.constant 0 : i32
        %dma_start3A_47 = tpu.memref_slice %arg4[%add3A_32, %dma_start3A_46] : memref<204800x128xf32, #tpu.memory_space<hbm>> -> memref<128x128xf32, #tpu.memory_space<hbm>>
        %dma_start3A_48 = arith.constant 0 : i32
        %dma_start3A_49 = tpu.memref_slice %arg4[%add3A_32, %dma_start3A_48] : memref<204800x128xf32, #tpu.memory_space<hbm>> -> memref<128x128xf32, #tpu.memory_space<hbm>>
        tpu.enqueue_dma source(%arg6 : memref<128x128xf32, #tpu.memory_space<vmem>>) target(%dma_start3A_49 : memref<128x128xf32, #tpu.memory_space<hbm>>) target_semaphore(%run_scoped3A : memref<!tpu.dma_semaphore, #tpu.memory_space<semaphore_mem>>)
        %dma_wait3A_50 = arith.constant 0 : i32
        %dma_wait3A_51 = tpu.memref_slice %arg4[%add3A_32, %dma_wait3A_50] : memref<204800x128xf32, #tpu.memory_space<hbm>> -> memref<128x128xf32, #tpu.memory_space<hbm>>
        %dma_wait3A_52 = arith.constant 0 : i32
        %dma_wait3A_53 = tpu.memref_slice %arg4[%add3A_32, %dma_wait3A_52] : memref<204800x128xf32, #tpu.memory_space<hbm>> -> memref<128x128xf32, #tpu.memory_space<hbm>>
        tpu.wait_dma2 semaphore(%run_scoped3A : memref<!tpu.dma_semaphore, #tpu.memory_space<semaphore_mem>>) src(%arg6 : memref<128x128xf32, #tpu.memory_space<vmem>>) dst(%dma_wait3A_53 : memref<128x128xf32, #tpu.memory_space<hbm>>)
        tpu.yield
      }) : () -> ()
      %add3A_33 = arith.constant 1 : i32
      %add3A_34 = arith.addi %add3A_18, %add3A_33 : i32
      %lt3A = arith.constant 50 : i32
      %lt3A_35 = arith.cmpi slt, %add3A_34, %lt3A : i32
      %convert_element_type3A = arith.extui %lt3A_35 : i1 to i32
      %cond3A = arith.constant 0 : i32
      %cond3A_36 = arith.cmpi ne, %convert_element_type3A, %cond3A : i32
      scf.if %cond3A_36 {
        %add3A_46 = arith.constant 1 : i32
        %add3A_47 = arith.addi %add3A_18, %add3A_46 : i32
        %dma_start3A_48 = arith.constant 0 : i32
        %dma_start3A_49 = tpu.memref_slice %arg5[%add3A_47, %dma_start3A_48] : memref<50x128xi32, #tpu.memory_space<vmem>> -> memref<1x128xi32, #tpu.memory_space<vmem>>
        %dma_start3A_50 = tpu.memref_squeeze %dma_start3A_49 : memref<1x128xi32, #tpu.memory_space<vmem>> -> memref<128xi32, #tpu.memory_space<vmem>>
        %dma_start3A_51 = arith.constant 0 : i32
        %dma_start3A_52 = arith.constant 0 : i32
        %dma_start3A_53 = tpu.memref_slice %arg3[%dma_start3A_51, %dma_start3A_52] : memref<100000x128xf32, #tpu.memory_space<hbm>> -> memref<100000x128xf32, #tpu.memory_space<hbm>>
        tpu.enqueue_indirect_dma source(%dma_start3A_53 : memref<100000x128xf32, #tpu.memory_space<hbm>>) target(%arg6 : memref<128x128xf32, #tpu.memory_space<vmem>>) offsets(%dma_start3A_50 : memref<128xi32, #tpu.memory_space<vmem>>) semaphore(%arg8 : memref<!tpu.dma_semaphore, #tpu.memory_space<semaphore_mem>>)
      } else {
      }
      %dma_wait3A_37 = arith.constant 0 : i32
      %dma_wait3A_38 = tpu.memref_slice %arg5[%add3A_18, %dma_wait3A_37] : memref<50x128xi32, #tpu.memory_space<vmem>> -> memref<1x128xi32, #tpu.memory_space<vmem>>
      %dma_wait3A_39 = tpu.memref_squeeze %dma_wait3A_38 : memref<1x128xi32, #tpu.memory_space<vmem>> -> memref<128xi32, #tpu.memory_space<vmem>>
      %dma_wait3A_40 = arith.constant 0 : i32
      %dma_wait3A_41 = arith.constant 0 : i32
      %dma_wait3A_42 = tpu.memref_slice %arg3[%dma_wait3A_40, %dma_wait3A_41] : memref<100000x128xf32, #tpu.memory_space<hbm>> -> memref<100000x128xf32, #tpu.memory_space<hbm>>
      tpu.wait_indirect_dma semaphore(%arg9 : memref<!tpu.dma_semaphore, #tpu.memory_space<semaphore_mem>>) src(%dma_wait3A_42 : memref<100000x128xf32, #tpu.memory_space<hbm>>) dst(%arg7 : memref<128x128xf32, #tpu.memory_space<vmem>>)
      %mul3A_43 = arith.constant 128 : i32
      %mul3A_44 = arith.muli %add3A_18, %mul3A_43 : i32
      %add3A_45 = arith.addi %mul3A_2, %mul3A_44 : i32
      "tpu.region"() ({
        %run_scoped3A = tpu.sem_alloc : memref<!tpu.dma_semaphore, #tpu.memory_space<semaphore_mem>>
        %dma_start3A_46 = arith.constant 0 : i32
        %dma_start3A_47 = tpu.memref_slice %arg4[%add3A_45, %dma_start3A_46] : memref<204800x128xf32, #tpu.memory_space<hbm>> -> memref<128x128xf32, #tpu.memory_space<hbm>>
        %dma_start3A_48 = arith.constant 0 : i32
        %dma_start3A_49 = tpu.memref_slice %arg4[%add3A_45, %dma_start3A_48] : memref<204800x128xf32, #tpu.memory_space<hbm>> -> memref<128x128xf32, #tpu.memory_space<hbm>>
        tpu.enqueue_dma source(%arg7 : memref<128x128xf32, #tpu.memory_space<vmem>>) target(%dma_start3A_49 : memref<128x128xf32, #tpu.memory_space<hbm>>) target_semaphore(%run_scoped3A : memref<!tpu.dma_semaphore, #tpu.memory_space<semaphore_mem>>)
        %dma_wait3A_50 = arith.constant 0 : i32
        %dma_wait3A_51 = tpu.memref_slice %arg4[%add3A_45, %dma_wait3A_50] : memref<204800x128xf32, #tpu.memory_space<hbm>> -> memref<128x128xf32, #tpu.memory_space<hbm>>
        %dma_wait3A_52 = arith.constant 0 : i32
        %dma_wait3A_53 = tpu.memref_slice %arg4[%add3A_45, %dma_wait3A_52] : memref<204800x128xf32, #tpu.memory_space<hbm>> -> memref<128x128xf32, #tpu.memory_space<hbm>>
        tpu.wait_dma2 semaphore(%run_scoped3A : memref<!tpu.dma_semaphore, #tpu.memory_space<semaphore_mem>>) src(%arg7 : memref<128x128xf32, #tpu.memory_space<vmem>>) dst(%dma_wait3A_53 : memref<128x128xf32, #tpu.memory_space<hbm>>)
        tpu.yield
      }) : () -> ()
    }
    %scan3A_13 = arith.constant 25 : i32
    return
  }
}

module attributes {stable_mosaic.version = 14 : i64} {
  func.func @body(%arg0: i32, %arg1: memref<1x1024x128xf32, #tpu.memory_space<vmem>>, %arg2: memref<1x1024x128xf32, #tpu.memory_space<vmem>>, %arg3: memref<256x512xf32, #tpu.memory_space<vmem>>, %arg4: memref<128x512xf32, #tpu.memory_space<vmem>>, %arg5: memref<1x512xf32, #tpu.memory_space<vmem>>, %arg6: memref<1x1024x64xbf16, #tpu.memory_space<vmem>>, %arg7: memref<1x1024x64xbf16, #tpu.memory_space<vmem>>, %arg8: memref<1024x128xf32, #tpu.memory_space<vmem>>, %arg9: memref<1024x128xf32, #tpu.memory_space<vmem>>) attributes {dimension_semantics = [#tpu.dimension_semantics<arbitrary>], iteration_bounds = array<i64: 200>, scalar_prefetch = 0 : i64, scratch_operands = 2 : i64, tpu.core_type = #tpu.core_type<tc>, window_params = [{transform_indices = @transform_0, window_bounds = array<i64: 1, 1024, 128>}, {transform_indices = @transform_1, window_bounds = array<i64: 1, 1024, 128>}, {pipeline_mode = #tpu.pipeline_mode<synchronous>, transform_indices = @transform_2, window_bounds = array<i64: 256, 512>}, {pipeline_mode = #tpu.pipeline_mode<synchronous>, transform_indices = @transform_3, window_bounds = array<i64: 128, 512>}, {pipeline_mode = #tpu.pipeline_mode<synchronous>, transform_indices = @transform_4, window_bounds = array<i64: 1, 512>}, {transform_indices = @transform_5, window_bounds = array<i64: 1, 1024, 64>}, {transform_indices = @transform_6, window_bounds = array<i64: 1, 1024, 64>}]} {
    %eq3A = arith.constant 0 : i32
    %eq3A_0 = arith.cmpi eq, %arg0, %eq3A : i32
    %convert_element_type3A = arith.extui %eq3A_0 : i1 to i32
    %cond3A = arith.constant 0 : i32
    %cond3A_1 = arith.cmpi ne, %convert_element_type3A, %cond3A : i32
    scf.if %cond3A_1 {
      %broadcast_in_dim3A = arith.constant 0.000000e+00 : f32
      %broadcast_in_dim3A_88 = vector.broadcast %broadcast_in_dim3A : f32 to vector<1024x128xf32>
      %swap3A_89 = arith.constant 0 : index
      %swap3A_90 = arith.constant 0 : index
      %swap3A_91 = vector.load %arg8[%swap3A_89, %swap3A_90] : memref<1024x128xf32, #tpu.memory_space<vmem>>, vector<1024x128xf32>
      tpu.vector_store %arg8[%swap3A_89, %swap3A_90], %broadcast_in_dim3A_88 {strides = array<i32>} : memref<1024x128xf32, #tpu.memory_space<vmem>>, vector<1024x128xf32>,
      %broadcast_in_dim3A_92 = arith.constant 0.000000e+00 : f32
      %broadcast_in_dim3A_93 = vector.broadcast %broadcast_in_dim3A_92 : f32 to vector<1024x128xf32>
      %swap3A_94 = arith.constant 0 : index
      %swap3A_95 = arith.constant 0 : index
      %swap3A_96 = vector.load %arg9[%swap3A_94, %swap3A_95] : memref<1024x128xf32, #tpu.memory_space<vmem>>, vector<1024x128xf32>
      tpu.vector_store %arg9[%swap3A_94, %swap3A_95], %broadcast_in_dim3A_93 {strides = array<i32>} : memref<1024x128xf32, #tpu.memory_space<vmem>>, vector<1024x128xf32>,
    } else {
    }
    %get3A = arith.constant 0 : index
    %get3A_2 = arith.constant 0 : index
    %get3A_3 = arith.constant 0 : index
    %get3A_4 = vector.load %arg1[%get3A, %get3A_2, %get3A_3] : memref<1x1024x128xf32, #tpu.memory_space<vmem>>, vector<1x1024x128xf32>
    %get3A_5 = vector.shape_cast %get3A_4 : vector<1x1024x128xf32> to vector<1024x128xf32>
    %get3A_6 = arith.constant 0 : index
    %get3A_7 = arith.constant 0 : index
    %get3A_8 = arith.constant 0 : index
    %get3A_9 = vector.load %arg2[%get3A_6, %get3A_7, %get3A_8] : memref<1x1024x128xf32, #tpu.memory_space<vmem>>, vector<1x1024x128xf32>
    %get3A_10 = vector.shape_cast %get3A_9 : vector<1x1024x128xf32> to vector<1024x128xf32>
    %concatenate3A = tpu.concatenate %get3A_5, %get3A_10 in 1 : vector<1024x128xf32>, vector<1024x128xf32> -> vector<1024x256xf32>
    %get3A_11 = arith.constant 0 : index
    %get3A_12 = arith.constant 0 : index
    %get3A_13 = vector.load %arg3[%get3A_11, %get3A_12] : memref<256x512xf32, #tpu.memory_space<vmem>>, vector<256x512xf32>
    %dot_general3A = arith.constant dense<0.000000e+00> : vector<1024x512xf32>
    %dot_general3A_14 = tpu.matmul %concatenate3A, %get3A_13, %dot_general3A {dimension_numbers = #tpu.dot_dimension_numbers<[1], [0], [0], [1], [0, 0, 1, 1], [], []>, transpose_lhs_hint = false} : vector<1024x256xf32>, vector<256x512xf32>, vector<1024x512xf32> -> vector<1024x512xf32>
    %get3A_15 = arith.constant 0 : index
    %get3A_16 = arith.constant 0 : index
    %get3A_17 = vector.load %arg8[%get3A_15, %get3A_16] : memref<1024x128xf32, #tpu.memory_space<vmem>>, vector<1024x128xf32>
    %get3A_18 = arith.constant 0 : index
    %get3A_19 = arith.constant 0 : index
    %get3A_20 = vector.load %arg4[%get3A_18, %get3A_19] : memref<128x512xf32, #tpu.memory_space<vmem>>, vector<128x512xf32>
    %dot_general3A_21 = arith.constant dense<0.000000e+00> : vector<1024x512xf32>
    %dot_general3A_22 = tpu.matmul %get3A_17, %get3A_20, %dot_general3A_21 {dimension_numbers = #tpu.dot_dimension_numbers<[1], [0], [0], [1], [0, 0, 1, 1], [], []>, transpose_lhs_hint = false} : vector<1024x128xf32>, vector<128x512xf32>, vector<1024x512xf32> -> vector<1024x512xf32>
    %add3A = arith.addf %dot_general3A_14, %dot_general3A_22 : vector<1024x512xf32>
    %get3A_23 = arith.constant 0 : index
    %get3A_24 = arith.constant 0 : index
    %get3A_25 = vector.load %arg5[%get3A_23, %get3A_24] : memref<1x512xf32, #tpu.memory_space<vmem>>, vector<1x512xf32>
    %add3A_26 = vector.broadcast %get3A_25 : vector<1x512xf32> to vector<1024x512xf32>
    %add3A_27 = arith.addf %add3A, %add3A_26 : vector<1024x512xf32>
    %get3A_28 = arith.constant 0 : index
    %get3A_29 = arith.constant 0 : index
    %get3A_30 = vector.load %arg9[%get3A_28, %get3A_29] : memref<1024x128xf32, #tpu.memory_space<vmem>>, vector<1024x128xf32>
    %slice3A = vector.extract_strided_slice %add3A_27 {offsets = [0, 0], sizes = [1024, 128], strides = [1, 1]} : vector<1024x512xf32> to vector<1024x128xf32>
    %mul3A = arith.constant 5.000000e-01 : f32
    %mul3A_31 = vector.broadcast %mul3A : f32 to vector<1024x128xf32>
    %mul3A_32 = arith.mulf %mul3A_31, %slice3A : vector<1024x128xf32>
    %tanh3A = math.tanh %mul3A_32 : vector<1024x128xf32>
    %mul3A_33 = arith.constant 5.000000e-01 : f32
    %mul3A_34 = vector.broadcast %mul3A_33 : f32 to vector<1024x128xf32>
    %mul3A_35 = arith.mulf %mul3A_34, %tanh3A : vector<1024x128xf32>
    %add3A_36 = arith.constant 5.000000e-01 : f32
    %add3A_37 = vector.broadcast %add3A_36 : f32 to vector<1024x128xf32>
    %add3A_38 = arith.addf %add3A_37, %mul3A_35 : vector<1024x128xf32>
    %slice3A_39 = vector.extract_strided_slice %add3A_27 {offsets = [0, 128], sizes = [1024, 128], strides = [1, 1]} : vector<1024x512xf32> to vector<1024x128xf32>
    %mul3A_40 = arith.constant 5.000000e-01 : f32
    %mul3A_41 = vector.broadcast %mul3A_40 : f32 to vector<1024x128xf32>
    %mul3A_42 = arith.mulf %mul3A_41, %slice3A_39 : vector<1024x128xf32>
    %tanh3A_43 = math.tanh %mul3A_42 : vector<1024x128xf32>
    %mul3A_44 = arith.constant 5.000000e-01 : f32
    %mul3A_45 = vector.broadcast %mul3A_44 : f32 to vector<1024x128xf32>
    %mul3A_46 = arith.mulf %mul3A_45, %tanh3A_43 : vector<1024x128xf32>
    %add3A_47 = arith.constant 5.000000e-01 : f32
    %add3A_48 = vector.broadcast %add3A_47 : f32 to vector<1024x128xf32>
    %add3A_49 = arith.addf %add3A_48, %mul3A_46 : vector<1024x128xf32>
    %slice3A_50 = vector.extract_strided_slice %add3A_27 {offsets = [0, 256], sizes = [1024, 128], strides = [1, 1]} : vector<1024x512xf32> to vector<1024x128xf32>
    %tanh3A_51 = math.tanh %slice3A_50 : vector<1024x128xf32>
    %slice3A_52 = vector.extract_strided_slice %add3A_27 {offsets = [0, 384], sizes = [1024, 128], strides = [1, 1]} : vector<1024x512xf32> to vector<1024x128xf32>
    %mul3A_53 = arith.constant 5.000000e-01 : f32
    %mul3A_54 = vector.broadcast %mul3A_53 : f32 to vector<1024x128xf32>
    %mul3A_55 = arith.mulf %mul3A_54, %slice3A_52 : vector<1024x128xf32>
    %tanh3A_56 = math.tanh %mul3A_55 : vector<1024x128xf32>
    %mul3A_57 = arith.constant 5.000000e-01 : f32
    %mul3A_58 = vector.broadcast %mul3A_57 : f32 to vector<1024x128xf32>
    %mul3A_59 = arith.mulf %mul3A_58, %tanh3A_56 : vector<1024x128xf32>
    %add3A_60 = arith.constant 5.000000e-01 : f32
    %add3A_61 = vector.broadcast %add3A_60 : f32 to vector<1024x128xf32>
    %add3A_62 = arith.addf %add3A_61, %mul3A_59 : vector<1024x128xf32>
    %mul3A_63 = arith.mulf %add3A_49, %get3A_30 : vector<1024x128xf32>
    %mul3A_64 = arith.mulf %add3A_38, %tanh3A_51 : vector<1024x128xf32>
    %add3A_65 = arith.addf %mul3A_63, %mul3A_64 : vector<1024x128xf32>
    %tanh3A_66 = math.tanh %add3A_65 : vector<1024x128xf32>
    %mul3A_67 = arith.mulf %add3A_62, %tanh3A_66 : vector<1024x128xf32>
    %swap3A = arith.constant 0 : index
    %swap3A_68 = arith.constant 0 : index
    %swap3A_69 = vector.load %arg9[%swap3A, %swap3A_68] : memref<1024x128xf32, #tpu.memory_space<vmem>>, vector<1024x128xf32>
    tpu.vector_store %arg9[%swap3A, %swap3A_68], %add3A_65 {strides = array<i32>} : memref<1024x128xf32, #tpu.memory_space<vmem>>, vector<1024x128xf32>,
    %swap3A_70 = arith.constant 0 : index
    %swap3A_71 = arith.constant 0 : index
    %swap3A_72 = vector.load %arg8[%swap3A_70, %swap3A_71] : memref<1024x128xf32, #tpu.memory_space<vmem>>, vector<1024x128xf32>
    tpu.vector_store %arg8[%swap3A_70, %swap3A_71], %mul3A_67 {strides = array<i32>} : memref<1024x128xf32, #tpu.memory_space<vmem>>, vector<1024x128xf32>,
    %convert_element_type3A_73 = arith.truncf %mul3A_67 : vector<1024x128xf32> to vector<1024x128xbf16>
    %slice3A_74 = vector.extract_strided_slice %convert_element_type3A_73 {offsets = [0, 0], sizes = [1024, 64], strides = [1, 1]} : vector<1024x128xbf16> to vector<1024x64xbf16>
    %swap3A_75 = arith.constant 0 : index
    %swap3A_76 = arith.constant 0 : index
    %swap3A_77 = arith.constant 0 : index
    %swap3A_78 = vector.load %arg6[%swap3A_75, %swap3A_76, %swap3A_77] : memref<1x1024x64xbf16, #tpu.memory_space<vmem>>, vector<1x1024x64xbf16>
    %swap3A_79 = vector.shape_cast %swap3A_78 : vector<1x1024x64xbf16> to vector<1024x64xbf16>
    %swap3A_80 = vector.shape_cast %slice3A_74 : vector<1024x64xbf16> to vector<1x1024x64xbf16>
    tpu.vector_store %arg6[%swap3A_75, %swap3A_76, %swap3A_77], %swap3A_80 {strides = array<i32>} : memref<1x1024x64xbf16, #tpu.memory_space<vmem>>, vector<1x1024x64xbf16>,
    %slice3A_81 = vector.extract_strided_slice %convert_element_type3A_73 {offsets = [0, 64], sizes = [1024, 64], strides = [1, 1]} : vector<1024x128xbf16> to vector<1024x64xbf16>
    %swap3A_82 = arith.constant 0 : index
    %swap3A_83 = arith.constant 0 : index
    %swap3A_84 = arith.constant 0 : index
    %swap3A_85 = vector.load %arg7[%swap3A_82, %swap3A_83, %swap3A_84] : memref<1x1024x64xbf16, #tpu.memory_space<vmem>>, vector<1x1024x64xbf16>
    %swap3A_86 = vector.shape_cast %swap3A_85 : vector<1x1024x64xbf16> to vector<1024x64xbf16>
    %swap3A_87 = vector.shape_cast %slice3A_81 : vector<1024x64xbf16> to vector<1x1024x64xbf16>
    tpu.vector_store %arg7[%swap3A_82, %swap3A_83, %swap3A_84], %swap3A_87 {strides = array<i32>} : memref<1x1024x64xbf16, #tpu.memory_space<vmem>>, vector<1x1024x64xbf16>,
    return
  }
  func.func @transform_0(%arg0: i32) -> (i32, i32, i32) {
    %c0_i32 = arith.constant 0 : i32
    %c0_i32_0 = arith.constant 0 : i32
    %c0_i32_1 = arith.constant 0 : i32
    return %arg0, %c0_i32, %c0_i32_0 : i32, i32, i32
  }
  func.func @transform_1(%arg0: i32) -> (i32, i32, i32) {
    %sub3A = arith.constant 199 : i32
    %sub3A_0 = arith.subi %sub3A, %arg0 : i32
    %c0_i32 = arith.constant 0 : i32
    %c0_i32_1 = arith.constant 0 : i32
    %c0_i32_2 = arith.constant 0 : i32
    return %sub3A_0, %c0_i32, %c0_i32_1 : i32, i32, i32
  }
  func.func @transform_2(%arg0: i32) -> (i32, i32) {
    %c0_i32 = arith.constant 0 : i32
    %c0_i32_0 = arith.constant 0 : i32
    %c0_i32_1 = arith.constant 0 : i32
    return %c0_i32, %c0_i32_0 : i32, i32
  }
  func.func @transform_3(%arg0: i32) -> (i32, i32) {
    %c0_i32 = arith.constant 0 : i32
    %c0_i32_0 = arith.constant 0 : i32
    %c0_i32_1 = arith.constant 0 : i32
    return %c0_i32, %c0_i32_0 : i32, i32
  }
  func.func @transform_4(%arg0: i32) -> (i32, i32) {
    %c0_i32 = arith.constant 0 : i32
    %c0_i32_0 = arith.constant 0 : i32
    %c0_i32_1 = arith.constant 0 : i32
    return %c0_i32, %c0_i32_0 : i32, i32
  }
  func.func @transform_5(%arg0: i32) -> (i32, i32, i32) {
    %c0_i32 = arith.constant 0 : i32
    %c0_i32_0 = arith.constant 0 : i32
    %c0_i32_1 = arith.constant 0 : i32
    return %arg0, %c0_i32, %c0_i32_0 : i32, i32, i32
  }
  func.func @transform_6(%arg0: i32) -> (i32, i32, i32) {
    %sub3A = arith.constant 199 : i32
    %sub3A_0 = arith.subi %sub3A, %arg0 : i32
    %c0_i32 = arith.constant 0 : i32
    %c0_i32_1 = arith.constant 0 : i32
    %c0_i32_2 = arith.constant 0 : i32
    return %sub3A_0, %c0_i32, %c0_i32_1 : i32, i32, i32
  }
}

module attributes {stable_mosaic.version = 14 : i64} {
  func.func @body(%arg0: i32, %arg1: memref<1x1024x64xbf16, #tpu.memory_space<vmem>>, %arg2: memref<1x1024x64xbf16, #tpu.memory_space<vmem>>, %arg3: memref<1x1024x64xbf16, #tpu.memory_space<vmem>>, %arg4: memref<1x1024x64xbf16, #tpu.memory_space<vmem>>, %arg5: memref<256x512xf32, #tpu.memory_space<vmem>>, %arg6: memref<128x512xf32, #tpu.memory_space<vmem>>, %arg7: memref<1x512xf32, #tpu.memory_space<vmem>>, %arg8: memref<1x64x128xbf16, #tpu.memory_space<vmem>>, %arg9: memref<1x64x128xbf16, #tpu.memory_space<vmem>>, %arg10: memref<1x128xf32, #tpu.memory_space<vmem>>, %arg11: memref<1024x128xf32, #tpu.memory_space<vmem>>, %arg12: memref<1024x128xf32, #tpu.memory_space<vmem>>, %arg13: memref<1024x128xf32, #tpu.memory_space<vmem>>, %arg14: memref<1024x128xf32, #tpu.memory_space<vmem>>) attributes {dimension_semantics = [#tpu.dimension_semantics<arbitrary>], iteration_bounds = array<i64: 200>, scalar_prefetch = 0 : i64, scratch_operands = 3 : i64, tpu.core_type = #tpu.core_type<tc>, window_params = [{transform_indices = @transform_0, window_bounds = array<i64: 1, 1024, 64>}, {transform_indices = @transform_1, window_bounds = array<i64: 1, 1024, 64>}, {transform_indices = @transform_2, window_bounds = array<i64: 1, 1024, 64>}, {transform_indices = @transform_3, window_bounds = array<i64: 1, 1024, 64>}, {pipeline_mode = #tpu.pipeline_mode<synchronous>, transform_indices = @transform_4, window_bounds = array<i64: 256, 512>}, {pipeline_mode = #tpu.pipeline_mode<synchronous>, transform_indices = @transform_5, window_bounds = array<i64: 128, 512>}, {pipeline_mode = #tpu.pipeline_mode<synchronous>, transform_indices = @transform_6, window_bounds = array<i64: 1, 512>}, {transform_indices = @transform_7, window_bounds = array<i64: 1, 64, 128>}, {transform_indices = @transform_8, window_bounds = array<i64: 1, 64, 128>}, {pipeline_mode = #tpu.pipeline_mode<synchronous>, transform_indices = @transform_9, window_bounds = array<i64: 1, 128>}, {pipeline_mode = #tpu.pipeline_mode<synchronous>, transform_indices = @transform_10, window_bounds = array<i64: 1024, 128>}]} {
    %eq3A = arith.constant 0 : i32
    %eq3A_0 = arith.cmpi eq, %arg0, %eq3A : i32
    %convert_element_type3A = arith.extui %eq3A_0 : i1 to i32
    %cond3A = arith.constant 0 : i32
    %cond3A_1 = arith.cmpi ne, %convert_element_type3A, %cond3A : i32
    scf.if %cond3A_1 {
      %broadcast_in_dim3A = arith.constant 0.000000e+00 : f32
      %broadcast_in_dim3A_110 = vector.broadcast %broadcast_in_dim3A : f32 to vector<1024x128xf32>
      %swap3A_111 = arith.constant 0 : index
      %swap3A_112 = arith.constant 0 : index
      %swap3A_113 = vector.load %arg12[%swap3A_111, %swap3A_112] : memref<1024x128xf32, #tpu.memory_space<vmem>>, vector<1024x128xf32>
      tpu.vector_store %arg12[%swap3A_111, %swap3A_112], %broadcast_in_dim3A_110 {strides = array<i32>} : memref<1024x128xf32, #tpu.memory_space<vmem>>, vector<1024x128xf32>,
      %broadcast_in_dim3A_114 = arith.constant 0.000000e+00 : f32
      %broadcast_in_dim3A_115 = vector.broadcast %broadcast_in_dim3A_114 : f32 to vector<1024x128xf32>
      %swap3A_116 = arith.constant 0 : index
      %swap3A_117 = arith.constant 0 : index
      %swap3A_118 = vector.load %arg13[%swap3A_116, %swap3A_117] : memref<1024x128xf32, #tpu.memory_space<vmem>>, vector<1024x128xf32>
      tpu.vector_store %arg13[%swap3A_116, %swap3A_117], %broadcast_in_dim3A_115 {strides = array<i32>} : memref<1024x128xf32, #tpu.memory_space<vmem>>, vector<1024x128xf32>,
      %broadcast_in_dim3A_119 = arith.constant 0.000000e+00 : f32
      %broadcast_in_dim3A_120 = vector.broadcast %broadcast_in_dim3A_119 : f32 to vector<1024x128xf32>
      %swap3A_121 = arith.constant 0 : index
      %swap3A_122 = arith.constant 0 : index
      %swap3A_123 = vector.load %arg14[%swap3A_121, %swap3A_122] : memref<1024x128xf32, #tpu.memory_space<vmem>>, vector<1024x128xf32>
      tpu.vector_store %arg14[%swap3A_121, %swap3A_122], %broadcast_in_dim3A_120 {strides = array<i32>} : memref<1024x128xf32, #tpu.memory_space<vmem>>, vector<1024x128xf32>,
    } else {
    }
    %get3A = arith.constant 0 : index
    %get3A_2 = arith.constant 0 : index
    %get3A_3 = arith.constant 0 : index
    %get3A_4 = vector.load %arg1[%get3A, %get3A_2, %get3A_3] : memref<1x1024x64xbf16, #tpu.memory_space<vmem>>, vector<1x1024x64xbf16>
    %get3A_5 = vector.shape_cast %get3A_4 : vector<1x1024x64xbf16> to vector<1024x64xbf16>
    %get3A_6 = arith.constant 0 : index
    %get3A_7 = arith.constant 0 : index
    %get3A_8 = arith.constant 0 : index
    %get3A_9 = vector.load %arg2[%get3A_6, %get3A_7, %get3A_8] : memref<1x1024x64xbf16, #tpu.memory_space<vmem>>, vector<1x1024x64xbf16>
    %get3A_10 = vector.shape_cast %get3A_9 : vector<1x1024x64xbf16> to vector<1024x64xbf16>
    %get3A_11 = arith.constant 0 : index
    %get3A_12 = arith.constant 0 : index
    %get3A_13 = arith.constant 0 : index
    %get3A_14 = vector.load %arg3[%get3A_11, %get3A_12, %get3A_13] : memref<1x1024x64xbf16, #tpu.memory_space<vmem>>, vector<1x1024x64xbf16>
    %get3A_15 = vector.shape_cast %get3A_14 : vector<1x1024x64xbf16> to vector<1024x64xbf16>
    %get3A_16 = arith.constant 0 : index
    %get3A_17 = arith.constant 0 : index
    %get3A_18 = arith.constant 0 : index
    %get3A_19 = vector.load %arg4[%get3A_16, %get3A_17, %get3A_18] : memref<1x1024x64xbf16, #tpu.memory_space<vmem>>, vector<1x1024x64xbf16>
    %get3A_20 = vector.shape_cast %get3A_19 : vector<1x1024x64xbf16> to vector<1024x64xbf16>
    %concatenate3A = tpu.concatenate %get3A_5, %get3A_10, %get3A_15, %get3A_20 in 1 : vector<1024x64xbf16>, vector<1024x64xbf16>, vector<1024x64xbf16>, vector<1024x64xbf16> -> vector<1024x256xbf16>
    %convert_element_type3A_21 = arith.extf %concatenate3A : vector<1024x256xbf16> to vector<1024x256xf32>
    %get3A_22 = arith.constant 0 : index
    %get3A_23 = arith.constant 0 : index
    %get3A_24 = vector.load %arg5[%get3A_22, %get3A_23] : memref<256x512xf32, #tpu.memory_space<vmem>>, vector<256x512xf32>
    %dot_general3A = arith.constant dense<0.000000e+00> : vector<1024x512xf32>
    %dot_general3A_25 = tpu.matmul %convert_element_type3A_21, %get3A_24, %dot_general3A {dimension_numbers = #tpu.dot_dimension_numbers<[1], [0], [0], [1], [0, 0, 1, 1], [], []>, transpose_lhs_hint = false} : vector<1024x256xf32>, vector<256x512xf32>, vector<1024x512xf32> -> vector<1024x512xf32>
    %get3A_26 = arith.constant 0 : index
    %get3A_27 = arith.constant 0 : index
    %get3A_28 = vector.load %arg12[%get3A_26, %get3A_27] : memref<1024x128xf32, #tpu.memory_space<vmem>>, vector<1024x128xf32>
    %get3A_29 = arith.constant 0 : index
    %get3A_30 = arith.constant 0 : index
    %get3A_31 = vector.load %arg6[%get3A_29, %get3A_30] : memref<128x512xf32, #tpu.memory_space<vmem>>, vector<128x512xf32>
    %dot_general3A_32 = arith.constant dense<0.000000e+00> : vector<1024x512xf32>
    %dot_general3A_33 = tpu.matmul %get3A_28, %get3A_31, %dot_general3A_32 {dimension_numbers = #tpu.dot_dimension_numbers<[1], [0], [0], [1], [0, 0, 1, 1], [], []>, transpose_lhs_hint = false} : vector<1024x128xf32>, vector<128x512xf32>, vector<1024x512xf32> -> vector<1024x512xf32>
    %add3A = arith.addf %dot_general3A_25, %dot_general3A_33 : vector<1024x512xf32>
    %get3A_34 = arith.constant 0 : index
    %get3A_35 = arith.constant 0 : index
    %get3A_36 = vector.load %arg7[%get3A_34, %get3A_35] : memref<1x512xf32, #tpu.memory_space<vmem>>, vector<1x512xf32>
    %add3A_37 = vector.broadcast %get3A_36 : vector<1x512xf32> to vector<1024x512xf32>
    %add3A_38 = arith.addf %add3A, %add3A_37 : vector<1024x512xf32>
    %get3A_39 = arith.constant 0 : index
    %get3A_40 = arith.constant 0 : index
    %get3A_41 = vector.load %arg13[%get3A_39, %get3A_40] : memref<1024x128xf32, #tpu.memory_space<vmem>>, vector<1024x128xf32>
    %slice3A = vector.extract_strided_slice %add3A_38 {offsets = [0, 0], sizes = [1024, 128], strides = [1, 1]} : vector<1024x512xf32> to vector<1024x128xf32>
    %mul3A = arith.constant 5.000000e-01 : f32
    %mul3A_42 = vector.broadcast %mul3A : f32 to vector<1024x128xf32>
    %mul3A_43 = arith.mulf %mul3A_42, %slice3A : vector<1024x128xf32>
    %tanh3A = math.tanh %mul3A_43 : vector<1024x128xf32>
    %mul3A_44 = arith.constant 5.000000e-01 : f32
    %mul3A_45 = vector.broadcast %mul3A_44 : f32 to vector<1024x128xf32>
    %mul3A_46 = arith.mulf %mul3A_45, %tanh3A : vector<1024x128xf32>
    %add3A_47 = arith.constant 5.000000e-01 : f32
    %add3A_48 = vector.broadcast %add3A_47 : f32 to vector<1024x128xf32>
    %add3A_49 = arith.addf %add3A_48, %mul3A_46 : vector<1024x128xf32>
    %slice3A_50 = vector.extract_strided_slice %add3A_38 {offsets = [0, 128], sizes = [1024, 128], strides = [1, 1]} : vector<1024x512xf32> to vector<1024x128xf32>
    %mul3A_51 = arith.constant 5.000000e-01 : f32
    %mul3A_52 = vector.broadcast %mul3A_51 : f32 to vector<1024x128xf32>
    %mul3A_53 = arith.mulf %mul3A_52, %slice3A_50 : vector<1024x128xf32>
    %tanh3A_54 = math.tanh %mul3A_53 : vector<1024x128xf32>
    %mul3A_55 = arith.constant 5.000000e-01 : f32
    %mul3A_56 = vector.broadcast %mul3A_55 : f32 to vector<1024x128xf32>
    %mul3A_57 = arith.mulf %mul3A_56, %tanh3A_54 : vector<1024x128xf32>
    %add3A_58 = arith.constant 5.000000e-01 : f32
    %add3A_59 = vector.broadcast %add3A_58 : f32 to vector<1024x128xf32>
    %add3A_60 = arith.addf %add3A_59, %mul3A_57 : vector<1024x128xf32>
    %slice3A_61 = vector.extract_strided_slice %add3A_38 {offsets = [0, 256], sizes = [1024, 128], strides = [1, 1]} : vector<1024x512xf32> to vector<1024x128xf32>
    %tanh3A_62 = math.tanh %slice3A_61 : vector<1024x128xf32>
    %slice3A_63 = vector.extract_strided_slice %add3A_38 {offsets = [0, 384], sizes = [1024, 128], strides = [1, 1]} : vector<1024x512xf32> to vector<1024x128xf32>
    %mul3A_64 = arith.constant 5.000000e-01 : f32
    %mul3A_65 = vector.broadcast %mul3A_64 : f32 to vector<1024x128xf32>
    %mul3A_66 = arith.mulf %mul3A_65, %slice3A_63 : vector<1024x128xf32>
    %tanh3A_67 = math.tanh %mul3A_66 : vector<1024x128xf32>
    %mul3A_68 = arith.constant 5.000000e-01 : f32
    %mul3A_69 = vector.broadcast %mul3A_68 : f32 to vector<1024x128xf32>
    %mul3A_70 = arith.mulf %mul3A_69, %tanh3A_67 : vector<1024x128xf32>
    %add3A_71 = arith.constant 5.000000e-01 : f32
    %add3A_72 = vector.broadcast %add3A_71 : f32 to vector<1024x128xf32>
    %add3A_73 = arith.addf %add3A_72, %mul3A_70 : vector<1024x128xf32>
    %mul3A_74 = arith.mulf %add3A_60, %get3A_41 : vector<1024x128xf32>
    %mul3A_75 = arith.mulf %add3A_49, %tanh3A_62 : vector<1024x128xf32>
    %add3A_76 = arith.addf %mul3A_74, %mul3A_75 : vector<1024x128xf32>
    %tanh3A_77 = math.tanh %add3A_76 : vector<1024x128xf32>
    %mul3A_78 = arith.mulf %add3A_73, %tanh3A_77 : vector<1024x128xf32>
    %swap3A = arith.constant 0 : index
    %swap3A_79 = arith.constant 0 : index
    %swap3A_80 = vector.load %arg13[%swap3A, %swap3A_79] : memref<1024x128xf32, #tpu.memory_space<vmem>>, vector<1024x128xf32>
    tpu.vector_store %arg13[%swap3A, %swap3A_79], %add3A_76 {strides = array<i32>} : memref<1024x128xf32, #tpu.memory_space<vmem>>, vector<1024x128xf32>,
    %swap3A_81 = arith.constant 0 : index
    %swap3A_82 = arith.constant 0 : index
    %swap3A_83 = vector.load %arg12[%swap3A_81, %swap3A_82] : memref<1024x128xf32, #tpu.memory_space<vmem>>, vector<1024x128xf32>
    tpu.vector_store %arg12[%swap3A_81, %swap3A_82], %mul3A_78 {strides = array<i32>} : memref<1024x128xf32, #tpu.memory_space<vmem>>, vector<1024x128xf32>,
    %get3A_84 = arith.constant 0 : index
    %get3A_85 = arith.constant 0 : index
    %get3A_86 = arith.constant 0 : index
    %get3A_87 = vector.load %arg8[%get3A_84, %get3A_85, %get3A_86] : memref<1x64x128xbf16, #tpu.memory_space<vmem>>, vector<1x64x128xbf16>
    %get3A_88 = vector.shape_cast %get3A_87 : vector<1x64x128xbf16> to vector<64x128xbf16>
    %get3A_89 = arith.constant 0 : index
    %get3A_90 = arith.constant 0 : index
    %get3A_91 = arith.constant 0 : index
    %get3A_92 = vector.load %arg9[%get3A_89, %get3A_90, %get3A_91] : memref<1x64x128xbf16, #tpu.memory_space<vmem>>, vector<1x64x128xbf16>
    %get3A_93 = vector.shape_cast %get3A_92 : vector<1x64x128xbf16> to vector<64x128xbf16>
    %concatenate3A_94 = tpu.concatenate %get3A_88, %get3A_93 in 0 : vector<64x128xbf16>, vector<64x128xbf16> -> vector<128x128xbf16>
    %get3A_95 = arith.constant 0 : index
    %get3A_96 = arith.constant 0 : index
    %get3A_97 = vector.load %arg14[%get3A_95, %get3A_96] : memref<1024x128xf32, #tpu.memory_space<vmem>>, vector<1024x128xf32>
    %convert_element_type3A_98 = arith.truncf %mul3A_78 : vector<1024x128xf32> to vector<1024x128xbf16>
    %dot_general3A_99 = arith.constant dense<0.000000e+00> : vector<1024x128xf32>
    %dot_general3A_100 = tpu.matmul %convert_element_type3A_98, %concatenate3A_94, %dot_general3A_99 {dimension_numbers = #tpu.dot_dimension_numbers<[1], [0], [0], [1], [0, 0, 1, 1], [], []>, transpose_lhs_hint = false} : vector<1024x128xbf16>, vector<128x128xbf16>, vector<1024x128xf32> -> vector<1024x128xf32>
    %add3A_101 = arith.addf %get3A_97, %dot_general3A_100 : vector<1024x128xf32>
    %swap3A_102 = arith.constant 0 : index
    %swap3A_103 = arith.constant 0 : index
    %swap3A_104 = vector.load %arg14[%swap3A_102, %swap3A_103] : memref<1024x128xf32, #tpu.memory_space<vmem>>, vector<1024x128xf32>
    tpu.vector_store %arg14[%swap3A_102, %swap3A_103], %add3A_101 {strides = array<i32>} : memref<1024x128xf32, #tpu.memory_space<vmem>>, vector<1024x128xf32>,
    %eq3A_105 = arith.constant 199 : i32
    %eq3A_106 = arith.cmpi eq, %arg0, %eq3A_105 : i32
    %convert_element_type3A_107 = arith.extui %eq3A_106 : i1 to i32
    %cond3A_108 = arith.constant 0 : i32
    %cond3A_109 = arith.cmpi ne, %convert_element_type3A_107, %cond3A_108 : i32
    scf.if %cond3A_109 {
      %get3A_110 = arith.constant 0 : index
      %get3A_111 = arith.constant 0 : index
      %get3A_112 = vector.load %arg14[%get3A_110, %get3A_111] : memref<1024x128xf32, #tpu.memory_space<vmem>>, vector<1024x128xf32>
      %get3A_113 = arith.constant 0 : index
      %get3A_114 = arith.constant 0 : index
      %get3A_115 = vector.load %arg10[%get3A_113, %get3A_114] : memref<1x128xf32, #tpu.memory_space<vmem>>, vector<1x128xf32>
      %add3A_116 = vector.broadcast %get3A_115 : vector<1x128xf32> to vector<1024x128xf32>
      %add3A_117 = arith.addf %get3A_112, %add3A_116 : vector<1024x128xf32>
      %iota3A = tpu.iota {dimensions = array<i32: 1>} : vector<1024x128xi32>
      %lt3A = arith.constant 3 : i32
      %lt3A_118 = vector.broadcast %lt3A : i32 to vector<1024x128xi32>
      %lt3A_119 = arith.cmpi slt, %iota3A, %lt3A_118 : vector<1024x128xi32>
      %jit3A = arith.constant 0xFF800000 : f32
      %broadcast_in_dim3A = vector.broadcast %jit3A : f32 to vector<1024x128xf32>
      %select_n3A = arith.select %lt3A_119, %add3A_117, %broadcast_in_dim3A : vector<1024x128xi1>, vector<1024x128xf32>
      %reduce_max3A = arith.constant dense<0xFF800000> : vector<1024xf32>
      %reduce_max3A_120 = vector.multi_reduction <maximumf>, %select_n3A, %reduce_max3A [1] : vector<1024x128xf32> to vector<1024xf32>
      %broadcast_in_dim3A_121 = vector.shape_cast %reduce_max3A_120 : vector<1024xf32> to vector<1024x1xf32>
      %sub3A = vector.broadcast %broadcast_in_dim3A_121 : vector<1024x1xf32> to vector<1024x128xf32>
      %sub3A_122 = arith.subf %select_n3A, %sub3A : vector<1024x128xf32>
      %exp3A = math.exp %sub3A_122 : vector<1024x128xf32>
      %jit3A_123 = arith.constant 0.000000e+00 : f32
      %broadcast_in_dim3A_124 = vector.broadcast %jit3A_123 : f32 to vector<1024x128xf32>
      %select_n3A_125 = arith.select %lt3A_119, %exp3A, %broadcast_in_dim3A_124 : vector<1024x128xi1>, vector<1024x128xf32>
      %reduce_sum3A = arith.constant dense<0.000000e+00> : vector<1024xf32>
      %reduce_sum3A_126 = vector.multi_reduction <add>, %select_n3A_125, %reduce_sum3A [1] : vector<1024x128xf32> to vector<1024xf32>
      %broadcast_in_dim3A_127 = vector.shape_cast %reduce_sum3A_126 : vector<1024xf32> to vector<1024x1xf32>
      %div3A = vector.broadcast %broadcast_in_dim3A_127 : vector<1024x1xf32> to vector<1024x128xf32>
      %div3A_128 = arith.divf %select_n3A_125, %div3A : vector<1024x128xf32>
      %swap3A_129 = arith.constant 0 : index
      %swap3A_130 = arith.constant 0 : index
      %swap3A_131 = vector.load %arg11[%swap3A_129, %swap3A_130] : memref<1024x128xf32, #tpu.memory_space<vmem>>, vector<1024x128xf32>
      tpu.vector_store %arg11[%swap3A_129, %swap3A_130], %div3A_128 {strides = array<i32>} : memref<1024x128xf32, #tpu.memory_space<vmem>>, vector<1024x128xf32>,
    } else {
    }
    return
  }
  func.func @transform_0(%arg0: i32) -> (i32, i32, i32) {
    %c0_i32 = arith.constant 0 : i32
    %c0_i32_0 = arith.constant 0 : i32
    %c0_i32_1 = arith.constant 0 : i32
    return %arg0, %c0_i32, %c0_i32_0 : i32, i32, i32
  }
  func.func @transform_1(%arg0: i32) -> (i32, i32, i32) {
    %c0_i32 = arith.constant 0 : i32
    %c0_i32_0 = arith.constant 0 : i32
    %c0_i32_1 = arith.constant 0 : i32
    return %arg0, %c0_i32, %c0_i32_0 : i32, i32, i32
  }
  func.func @transform_2(%arg0: i32) -> (i32, i32, i32) {
    %sub3A = arith.constant 199 : i32
    %sub3A_0 = arith.subi %sub3A, %arg0 : i32
    %c0_i32 = arith.constant 0 : i32
    %c0_i32_1 = arith.constant 0 : i32
    %c0_i32_2 = arith.constant 0 : i32
    return %sub3A_0, %c0_i32, %c0_i32_1 : i32, i32, i32
  }
  func.func @transform_3(%arg0: i32) -> (i32, i32, i32) {
    %sub3A = arith.constant 199 : i32
    %sub3A_0 = arith.subi %sub3A, %arg0 : i32
    %c0_i32 = arith.constant 0 : i32
    %c0_i32_1 = arith.constant 0 : i32
    %c0_i32_2 = arith.constant 0 : i32
    return %sub3A_0, %c0_i32, %c0_i32_1 : i32, i32, i32
  }
  func.func @transform_4(%arg0: i32) -> (i32, i32) {
    %c0_i32 = arith.constant 0 : i32
    %c0_i32_0 = arith.constant 0 : i32
    %c0_i32_1 = arith.constant 0 : i32
    return %c0_i32, %c0_i32_0 : i32, i32
  }
  func.func @transform_5(%arg0: i32) -> (i32, i32) {
    %c0_i32 = arith.constant 0 : i32
    %c0_i32_0 = arith.constant 0 : i32
    %c0_i32_1 = arith.constant 0 : i32
    return %c0_i32, %c0_i32_0 : i32, i32
  }
  func.func @transform_6(%arg0: i32) -> (i32, i32) {
    %c0_i32 = arith.constant 0 : i32
    %c0_i32_0 = arith.constant 0 : i32
    %c0_i32_1 = arith.constant 0 : i32
    return %c0_i32, %c0_i32_0 : i32, i32
  }
  func.func @transform_7(%arg0: i32) -> (i32, i32, i32) {
    %c0_i32 = arith.constant 0 : i32
    %c0_i32_0 = arith.constant 0 : i32
    %c0_i32_1 = arith.constant 0 : i32
    return %arg0, %c0_i32, %c0_i32_0 : i32, i32, i32
  }
  func.func @transform_8(%arg0: i32) -> (i32, i32, i32) {
    %sub3A = arith.constant 199 : i32
    %sub3A_0 = arith.subi %sub3A, %arg0 : i32
    %c0_i32 = arith.constant 0 : i32
    %c0_i32_1 = arith.constant 0 : i32
    %c0_i32_2 = arith.constant 0 : i32
    return %sub3A_0, %c0_i32, %c0_i32_1 : i32, i32, i32
  }
  func.func @transform_9(%arg0: i32) -> (i32, i32) {
    %c0_i32 = arith.constant 0 : i32
    %c0_i32_0 = arith.constant 0 : i32
    %c0_i32_1 = arith.constant 0 : i32
    return %c0_i32, %c0_i32_0 : i32, i32
  }
  func.func @transform_10(%arg0: i32) -> (i32, i32) {
    %c0_i32 = arith.constant 0 : i32
    %c0_i32_0 = arith.constant 0 : i32
    %c0_i32_1 = arith.constant 0 : i32
    return %c0_i32, %c0_i32_0 : i32, i32
  }
}

</mosaic_0001>

<sc_bundles>
// kernel: kernel.5.cloned.1.call-start
scs
__scs_entry_jumppad:
0x0: {  	(pc) =	sbr.rel $0x88, $3  }
0x1: {  	(tag) =	ssettag $0x0;
	lr =	simm.s32 $0x1  }
0x2: {  	[smem:$0x3F91] =	sst lr;
	_ =	strace $0xD0000000  }
0x3: {  	_ = 	snop  }
0x4: {  	_ = 	snop  }
0x5: {  	_ = 	snop  }
0x6: {  	_ = 	snop  }
0x7: {  	_ = 	snop  }
__scs_overlays_trampoline_lowered:
0x8: {  	[smem:$0x3FA0] =	sst s0  }
0x9: {  	[smem:$0x3FA1] =	sst s1  }
0xa: {  	[smem:$0x3FA2] =	sst s2  }
0xb: {  	[smem:$0x3FA3] =	sst s3  }
0xc: {  	[smem:$0x3FA4] =	sst s4  }
0xd: {  	[smem:$0x3FA5] =	sst s5  }
0xe: {  	[smem:$0x3FA6] =	sst s6  }
0xf: {  	[smem:$0x3FA7] =	sst s7  }
0x10: {  	[smem:$0x3FA8] =	sst s8  }
0x11: {  	[smem:$0x3FA9] =	sst s9;
	s0 =	simm.s32 @!p0 $0x0  }
0x12: {  	s1 =	sld [smem:$0x3F8F];
	s0 =	simm.s32 @p0 $0x1  }
0x13: {  	[smem:$0x3FAA] =	sst s0;
	s0 =	simm.s32 @!p1 $0x0  }
0x14: {  	s2 =	sld [smem:$0x3F8E];
	s0 =	simm.s32 @p1 $0x1  }
0x15: {  	[smem:$0x3FAB] =	sst s0;
	s0 =	simm.s32 @!p2 $0x0  }
0x16: {  	s3 =	sld [smem:$0x3FDB];
	s0 =	simm.s32 @p2 $0x1  }
0x17: {  	s4 =	simm.s32 $0x1BF5;
	[smem:$0x3FAD] =	sst s0  }
0x18: {  	s0 =	sld [smem:$0x3F90];
	_ =	swait.ge [sflag:s4], $0x0  }
0x19: {  	s7 =	sld [smem:$0x3F91]  }
0x1a: {  	s8 =	sadd.s32 $0xFFFFE003, lr  }
0x1b: {  	s9 =	sadd.s32 $0xFFFFFEF7, lr;
	s5 =	simm.s32 $0xFFFFFFFF;
	p2 =	slt.u32 s8, $0xFFFFF086  }
0x1c: {  	p1 =	slt.u32 s9, $0xF7A;
	s5 =	simm.s32 @!p2 $0x0  }
0x1d: {  	s5 =	simm.s32 @p1 $0x1;
	p0 =	seq.s32 s7, s2  }
0x1e: {  	s7 =	smul.u32 @!p0 $0xF7A, s2;
	p2 =	seq.s32 @!p0 s5, $0x0  }
0x1f: {  	s9 =	smul.u32 $0xF7A, s1;
	s8 =	simm.s32 @!p0 $0x1BF5;
	p2 =	por !p2, p0  }
0x20: {  	[sflag:s8] =	ssyncset.s32 @!p0 $0xFFFFF086;
	s6 =	sadd.s32 @!p0 s3, s7;
	s7 =	simm.s32 @!p0 $0x108  }
0x21: {  	s3 =	sadd.s32 s3, s9;
	s6 =	sadd.s32 @!p0 $0x88, s6;
	s7 =	simm.s32 @p2 $0x1082  }
0x22: {  	[simem:s7], [sflag:s8] =	dma.local @!p0 [hbm:s6], $0xF7A  }
0x23: {  	s9 =	sor.u32 $0xD0000000, s2;
	s6 =	simm.s32 $0x108;
	_ =	swait.ge @!p0 [sflag:s8], $0x0  }
0x24: {  	s3 =	sadd.s32 $0x88, s3;
	s6 =	simm.s32 @!p1 $0x1082;
	[sflag:s4] =	ssyncset.s32 $0xFFFFF086  }
0x25: {  	[simem:s6], [sflag:s4] =	dma.local [hbm:s3], $0xF7A  }
0x26: {  	[smem:$0x3F91] =	sst s1;
	(tag) =	ssettag s2;
	_ =	strace s9  }
0x27: {  	s1 =	sld [smem:$0x3FA1]  }
0x28: {  	s2 =	sld [smem:$0x3FA2]  }
0x29: {  	s4 =	sld [smem:$0x3FA4]  }
0x2a: {  	p0 =	seq.s32 s5, $0x0;
	s5 =	sld [smem:$0x3FA5]  }
0x2b: {  	s6 =	sld [smem:$0x3FA6]  }
0x2c: {  	s7 =	sld [smem:$0x3FA7]  }
0x2d: {  	s3 =	simm.s32 $0x108;
	s8 =	sld [smem:$0x3FA8]  }
0x2e: {  	s3 =	simm.s32 @!p0 $0x1082;
	s9 =	sld [smem:$0x3FA9]  }
0x2f: {  	lr =	sadd.s32 s0, s3;
	s0 =	sld [smem:$0x3FA0]  }
0x30: {  	s3 =	sld [smem:$0x3FA3]  }
0x31: {  	[smem:$0x3FAC] =	sst s10  }
0x32: {  	s10 =	sld [smem:$0x3FAA];
	_ =	sdelay $0x3  }
0x33: {  	p0 =	seq.s32 s10, $0x1;
	s10 =	sld [smem:$0x3FAC];
	_ =	sdelay $0x3  }
0x34: {  	[smem:$0x3FAC] =	sst s10  }
0x35: {  	s10 =	sld [smem:$0x3FAB];
	_ =	sdelay $0x3  }
0x36: {  	p1 =	seq.s32 s10, $0x1;
	s10 =	sld [smem:$0x3FAC];
	_ =	sdelay $0x3  }
0x37: {  	[smem:$0x3FAC] =	sst s10  }
0x38: {  	s10 =	sld [smem:$0x3FAD]  }
0x39: {  	_ = 	snop;
	(pc) =	sbr.ind lr, $3  }
0x3a: {  	_ = 	snop  }
0x3b: {  	_ = 	snop  }
0x3c: {  	p2 =	seq.s32 s10, $0x1;
	s10 =	sld [smem:$0x3FAC]  }
0x3d: {  	_ =	shalt  }
0x3e: {  	_ =	shalt  }
0x3f: {  	_ =	shalt  }
0x40: {  	_ =	shalt  }
0x41: {  	_ =	shalt  }
0x42: {  	_ =	shalt  }
0x43: {  	_ =	shalt  }
0x44: {  	_ =	shalt  }
0x45: {  	_ =	shalt  }
0x46: {  	_ =	shalt  }
0x47: {  	_ =	shalt  }
0x48: {  	_ =	shalt  }
0x49: {  	_ =	shalt  }
0x4a: {  	_ =	shalt  }
0x4b: {  	_ =	shalt  }
0x4c: {  	_ =	shalt  }
0x4d: {  	_ =	shalt  }
0x4e: {  	_ =	shalt  }
0x4f: {  	_ =	shalt  }
0x50: {  	_ =	shalt  }
0x51: {  	_ =	shalt  }
0x52: {  	_ =	shalt  }
0x53: {  	_ =	shalt  }
0x54: {  	_ =	shalt  }
0x55: {  	_ =	shalt  }
0x56: {  	_ =	shalt  }
0x57: {  	_ =	shalt  }
0x58: {  	_ =	shalt  }
0x59: {  	_ =	shalt  }
0x5a: {  	_ =	shalt  }
0x5b: {  	_ =	shalt  }
0x5c: {  	_ =	shalt  }
0x5d: {  	_ =	shalt  }
0x5e: {  	_ =	shalt  }
0x5f: {  	_ =	shalt  }
0x60: {  	_ =	shalt  }
0x61: {  	_ =	shalt  }
0x62: {  	_ =	shalt  }
0x63: {  	_ =	shalt  }
0x64: {  	_ =	shalt  }
0x65: {  	_ =	shalt  }
0x66: {  	_ =	shalt  }
0x67: {  	_ =	shalt  }
0x68: {  	_ =	shalt  }
0x69: {  	_ =	shalt  }
0x6a: {  	_ =	shalt  }
0x6b: {  	_ =	shalt  }
0x6c: {  	_ =	shalt  }
0x6d: {  	_ =	shalt  }
0x6e: {  	_ =	shalt  }
0x6f: {  	_ =	shalt  }
0x70: {  	_ =	shalt  }
0x71: {  	_ =	shalt  }
0x72: {  	_ =	shalt  }
0x73: {  	_ =	shalt  }
0x74: {  	_ =	shalt  }
0x75: {  	_ =	shalt  }
0x76: {  	_ =	shalt  }
0x77: {  	_ =	shalt  }
0x78: {  	_ =	shalt  }
0x79: {  	_ =	shalt  }
0x7a: {  	_ =	shalt  }
0x7b: {  	_ =	shalt  }
0x7c: {  	_ =	shalt  }
0x7d: {  	_ =	shalt  }
0x7e: {  	_ =	shalt  }
0x7f: {  	_ =	shalt  }
0x80: {  	_ =	shalt  }
0x81: {  	_ =	shalt  }
0x82: {  	_ =	shalt  }
0x83: {  	_ =	shalt  }
0x84: {  	_ =	shalt  }
0x85: {  	_ =	shalt  }
0x86: {  	_ =	shalt  }
0x87: {  	_ =	shalt  }
.Lfunc_end0:
.L_simem_size_0:
called_computation_lowered:
.L_overlay_start_0:
0x88: {  	s2 =	sld [smem:$0x3FD9]  }
0x89: {  	s3 =	sld [smem:$0x3FFE];
	_ =	sdelay $0x1  }
0x8a: {  	s1 =	srdreg.scid  }
0x8b: {  	s0 =	sand.u32 $0x1, s1  }
0x8c: {  	s17 =	sshll.u32 s0, $0xA;
	s2 =	sadd.s32 s3, s2  }
0x8d: {  	s2 =	sadd.s32 s2, s17  }
0x8e: {  	[smem:$0x3FB8] =	sst s2  }
0x8f: {  	_ = 	snop  }
0x90: {  	s2 =	sld [smem:$0x3FC8];
	(tm) =	ssettm $0x1  }
0x91: {  	s18 =	sld [smem:$0x3FFB];
	_ =	sdelay $0x3  }
0x92: {  	_ =	strace s18  }
0x93: {  	s3 =	sld [smem:$0x3FFC];
	_ =	sdelay $0x3  }
0x94: {  	_ =	strace s3  }
0x95: {  	s3 =	sld [smem:$0x3FFD];
	_ =	sdelay $0x3  }
0x96: {  	_ =	strace s3  }
0x97: {  	_ =	strace $0x8FFFFFFF  }
0x98: {  	s19 =	sld [smem:$0x3FDB];
	_ =	sdelay $0x1  }
0x99: {  	s4 =	simm.s32 $_scs_section_size  }
0x9a: {  	s5 =	simm.s32 $_size__tile_overlayer_lowered;
	s6 =	simm.s32 $_tile_overlayer_lowered  }
0x9b: {  	s22 =	simm.s32 $0x1BFF;
	s21 =	sshll.u32 s6, $0x1;
	s3 =	sadd.s32 s4, s19  }
0x9c: {  	s7 =	simm.s32 $0x0;
	s20 =	sshll.u32 s5, $0x1;
	s5 =	sadd.s32 s21, s3  }
0x9d: {  	[timem:s7], [sflag:s22] =	dma.local [hbm:s5], s20  }
0x9e: {  	_ =	swait.ge [sflag:s22], s20  }
0x9f: {  	s4 =	ssub.s32 $0x0, s20;
	[sflag:s22] =	ssyncset.done $0x0  }
0xa0: {  	[sflag:s22] =	ssyncadd.s32 s4;
	_ =	sdelay $0x1  }
0xa1: {  	s23 =	simm.s32 $0x1B8B  }
0xa2: {  	_ =	swait.ge [sflag:s23], $0x1  }
0xa3: {  	[sflag:s23] =	ssyncset.done $0x0  }
0xa4: {  	s25 =	simm.s32 $0x1B8E;
	s24 =	sld [smem:$0x3FFE];
	[sflag:s23] =	ssyncadd.s32 $0xFFFFFFFF  }
0xa5: {  	s26 =	simm.s32 $execute0_lowered;
	[smem:$0x3FD2] =	sst s25  }
0xa6: {  	s5 =	sshll.u32 s26, $0x1;
	_ =	strace $0x80000046;
	[dreg:$0x1] =	wrdreg $0xFFFFFFFF  }
0xa7: {  	s28 =	simm.s32 $_size_execute0_lowered;
	s3 =	sadd.s32 s3, s5;
	[dreg:$0x0] =	wrdreg $0x0  }
0xa8: {  	s5 =	sshll.u32 s28, $0x1;
	[dreg:$0x2] =	wrdreg s3  }
0xa9: {  	[dreg:$0x3] =	wrdreg s5  }
0xaa: {  	[dreg:$0x4] =	wrdreg $0xC0  }
0xab: {  	_ =	task [dreg:s7], $0x5FFFF  }
0xac: {  	[dreg:$0x1] =	wrdreg $0xFFFFFFFF  }
0xad: {  	[dreg:$0x0] =	wrdreg $0x60  }
0xae: {  	[dreg:$0x2] =	wrdreg s24  }
0xaf: {  	[dreg:$0x3] =	wrdreg s2  }
0xb0: {  	[dreg:$0x4] =	wrdreg $0x9  }
0xb1: {  	_ =	task.clear_ibuf [dreg:s7], $0x5FFFF;
	_ =	strace $0x90000046  }
0xb2: {  	s29 =	simm.s32 $0x9;
	_ =	strace $0x80000048  }
0xb3: {  	_ =	swait.ge [sflag:s29], $0x1  }
0xb4: {  	[sflag:s29] =	ssyncadd.s32 $0xFFFFFFFF  }
0xb5: {  	_ =	strace $0x90000048  }
0xb6: {  	_ =	sfence  }
0xb7: {  	s30 =	sld [smem:$0x0];
	_ =	sdelay $0x2  }
0xb8: {  	s31 =	sshll.u32 s1, $0xD;
	s1 =	sshrl.u32 s1, $0x2  }
0xb9: {  	s3 =	sand.u32 $0x4000, s31;
	s1 =	sadd.s32 s1, s30  }
0xba: {  	s0 =	sor.u32 s3, s0;
	s1 =	sshll.u32 s1, $0x11  }
0xbb: {  	s0 =	sor.u32 s1, s0  }
0xbc: {  	s0 =	sadd.s32 $0x8F2B, s0  }
0xbd: {  	[sflag:s0] =	ssyncadd.remote.s32 $0x1  }
0xbe: {  	_ =	sfence.sel $0xFFFF  }
0xbf: {  	[dreg:$0x0] =	wrdreg $0xFFFFFFFF;
	(pc) =	sbr.abs _section_cstart, $3  }
0xc0: {  	[dreg:$0x1] =	wrdreg $0xFFFFFFFF  }
0xc1: {  	_ =	task.clear_ibuf [dreg:s7], $0x2FFFF;
	_ =	strace $0x9FFFFFFF  }
0xc2: {  	(tm) =	ssettm $0x7FFFFFFF  }
0xc3: {  	_ =	shalt  }
tec
execute0_lowered:
.L_overlay_start_1:
0x0: {  	(tag) =	ssettag $0x1  }
0x1: {  	s4 =	rddreg [dreg:$0x0];
	s1 =	srdreg.scid  }
0x2: {  	s0 =	stileid.u32;
	s2 =	rddreg [dreg:$0x1];
	s3 =	simm.s32 $0x0  }
0x3: {  	s13 =	simm.s32 $0x5C00;
	s14 =	simm.s32 $0x1;
	s25 =	smul.u32 $0x190000, s0  }
0x4: {  	s15 =	simm.s32 $0x2;
	s7 =	sand.u32 $0x1, s1;
	s29 =	smul.u32 $0x32000, s0  }
0x5: {  	s16 =	simm.s32 $0x1880;
	s5 =	sshll.u32 s0, $0x1;
	s28 =	smul.u32 $0xC8000, s7  }
0x6: {  	s1 =	rddreg [dreg:$0x2];
	s5 =	sor.u32 s7, s5;
	s30 =	smul.u32 $0x19000, s7  }
0x7: {  	s17 =	simm.s32 $0x0;
	[smem:$0x7FF] =	sst s3;
	s6 =	smul.u32 $0x380, s5  }
0x8: {  	s12 =	sadd.s32 $0x9400, s4;
	s8 =	ssub.s32 $0x2, s7;
	s9 =	smul.u32 $0xC8000, s5  }
0x9: {  	_ =	strace $0x80000047;
	s10 =	sshrl.u32 s8, $0x1;
	s11 =	smul.u32 $0x19000, s5  }
0xa: {  	s24 =	ssub.s32 s8, s10;
	s8 =	sadd.s32 s28, s25;
	s10 =	sadd.s32 s29, s12  }
0xb: {  	s6 =	sadd.s32 s6, s4;
	s26 =	sshrl.u32 s9, $0x3;
	s5 =	smax.u32 s24, $0x1  }
0xc: {  	s31 =	sadd.s32 s12, s11;
	s8 =	sshrl.u32 s8, $0x3;
	s9 =	sadd.s32 s30, s10  }
0xd: {  	s10 =	simm.s32 $0x3;
	s11 =	simm.s32 $0x1C00;
	s4 =	sadd.s32 $0x2400, s6  }
0xe: {  	s6 =	sadd.s32 s12, s26;
	s7 =	sadd.s32 $0x18800, s31;
	s8 =	sadd.s32 s8, s12  }
0xf: {  	s9 =	sadd.s32 $0x800, s9;
	s12 =	simm.s32 $0x80;
	s6 =	sadd.s32 $0x18000, s6  }
.LBB2_1:
0x10: {  	[tilespmem:s3], [sflag:$0x3] =	stream.linear.gather [hbm4b:s4+s3], $0x1900, $0x38;
	[tilespmem:$0x9C00] =	vst v63  }
0x11: {  	_ =	swait.ge [sflag:s10], $0x1900  }
0x12: {  	[sflag:s10] =	ssyncset.done $0x0  }
0x13: {  	[sflag:s10] =	ssyncadd.s32 $0xFFFFE700  }
0x14: {  	[tilespmem:s11], [sflag:$0x1] =	stream.indirect.gather [hbm4b:s2+s12], $0x80, s3, s12, $0xb8;
	[tilespmem:$0x9C00] =	vst v63  }
0x15: {  	_ = 	snop  }
0x16: {  	[tilespmem:s13], [sflag:$0x2] =	stream.indirect.gather [hbm4b:s2+s12], $0x80, s12, s12, $0xb8;
	[tilespmem:$0x9C00] =	vst v63  }
0x17: {  	_ =	swait.ge [sflag:s14], $0x4000  }
0x18: {  	[sflag:s14] =	ssyncset.done $0x0  }
0x19: {  	s18 =	sadd.s32 $0x0, s8;
	[sflag:s14] =	ssyncadd.s32 $0xFFFFC000  }
0x1a: {  	[hbm4b:s18+s3] =	stream.linear.scatter [tilespmem:s11], [sflag:$0x3], $0x4000, $0x38;
	[tilespmem:$0x9C00] =	vst v63  }
0x1b: {  	_ =	swait.ge [sflag:s10], $0x4000  }
0x1c: {  	[sflag:s10] =	ssyncset.done $0x0  }
0x1d: {  	s30 =	simm.s32 $0x100;
	[sflag:s10] =	ssyncadd.s32 $0xFFFFC000  }
0x1e: {  	[tilespmem:s11], [sflag:$0x1] =	stream.indirect.gather [hbm4b:s2+s12], $0x80, s30, s12, $0xb8;
	[tilespmem:$0x9C00] =	vst v63  }
0x1f: {  	_ =	swait.ge [sflag:s15], $0x4000  }
0x20: {  	[sflag:s15] =	ssyncset.done $0x0  }
0x21: {  	s31 =	sadd.s32 $0x0, s9;
	[sflag:s15] =	ssyncadd.s32 $0xFFFFC000  }
0x22: {  	[hbm4b:s31+s3] =	stream.linear.scatter [tilespmem:s13], [sflag:$0x3], $0x4000, $0x38;
	[tilespmem:$0x9C00] =	vst v63  }
0x23: {  	_ =	swait.ge [sflag:s10], $0x4000  }
0x24: {  	s19 =	simm.s32 $0x80;
	s18 =	simm.s32 $0x1000;
	[sflag:s10] =	ssyncset.done $0x0  }
.LBB2_2:
0x25: {  	p0 =	sne.s32 s18, $0x17000;
	[sflag:s10] =	ssyncadd.s32 $0xFFFFC000;
	s19 =	sadd.s32 $0x100, s19  }
0x26: {  	[tilespmem:s13], [sflag:$0x2] =	stream.indirect.gather [hbm4b:s2+s12], $0x80, s19, s12, $0xb8;
	[tilespmem:$0x9C00] =	vst v63  }
0x27: {  	s20 =	smov.u32 s18;
	s18 =	sadd.s32 $0x1000, s18;
	_ =	swait.ge [sflag:s14], $0x4000  }
0x28: {  	[sflag:s14] =	ssyncset.done $0x0  }
0x29: {  	s21 =	sadd.s32 s20, s8;
	[sflag:s14] =	ssyncadd.s32 $0xFFFFC000  }
0x2a: {  	[hbm4b:s21+s3] =	stream.linear.scatter [tilespmem:s11], [sflag:$0x3], $0x4000, $0x38;
	[tilespmem:$0x9C00] =	vst v63  }
0x2b: {  	_ =	swait.ge [sflag:s10], $0x4000  }
0x2c: {  	[sflag:s10] =	ssyncset.done $0x0  }
0x2d: {  	s21 =	sadd.s32 $0x80, s19;
	[sflag:s10] =	ssyncadd.s32 $0xFFFFC000  }
0x2e: {  	[tilespmem:s11], [sflag:$0x1] =	stream.indirect.gather [hbm4b:s2+s12], $0x80, s21, s12, $0xb8;
	[tilespmem:$0x9C00] =	vst v63  }
0x2f: {  	_ =	swait.ge [sflag:s15], $0x4000  }
.Ltmp0:
0x30: {  	[sflag:s15] =	ssyncset.done $0x0;
	(pc) =	sbr.rel @p0 .LBB2_2-.Ltmp0, $4  }
0x31: {  	s20 =	sadd.s32 s20, s9;
	[sflag:s15] =	ssyncadd.s32 $0xFFFFC000  }
0x32: {  	[hbm4b:s20+s3] =	stream.linear.scatter [tilespmem:s13], [sflag:$0x3], $0x4000, $0x38;
	[tilespmem:$0x9C00] =	vst v63  }
0x33: {  	_ =	swait.ge [sflag:s10], $0x4000  }
0x34: {  	[sflag:s10] =	ssyncset.done $0x0  }
0x35: {  	[sflag:s10] =	ssyncadd.s32 $0xFFFFC000  }
0x36: {  	[tilespmem:s13], [sflag:$0x2] =	stream.indirect.gather [hbm4b:s2+s12], $0x80, s16, s12, $0xb8;
	[tilespmem:$0x9C00] =	vst v63  }
0x37: {  	_ =	swait.ge [sflag:s14], $0x4000  }
0x38: {  	[sflag:s14] =	ssyncset.done $0x0  }
0x39: {  	[sflag:s14] =	ssyncadd.s32 $0xFFFFC000  }
0x3a: {  	[hbm4b:s6+s3] =	stream.linear.scatter [tilespmem:s11], [sflag:$0x3], $0x4000, $0x38;
	[tilespmem:$0x9C00] =	vst v63  }
0x3b: {  	_ =	swait.ge [sflag:s10], $0x4000  }
0x3c: {  	[sflag:s10] =	ssyncset.done $0x0  }
0x3d: {  	[sflag:s10] =	ssyncadd.s32 $0xFFFFC000  }
0x3e: {  	s17 =	sadd.s32 $0x1, s17;
	_ =	swait.ge [sflag:s15], $0x4000  }
0x3f: {  	p0 =	sne.s32 s17, s5;
	[sflag:s15] =	ssyncset.done $0x0  }
.Ltmp1:
0x40: {  	[sflag:s15] =	ssyncadd.s32 $0xFFFFC000;
	(pc) =	sbr.rel @p0 .LBB2_1-.Ltmp1, $4  }
0x41: {  	[hbm4b:s7+s3] =	stream.linear.scatter [tilespmem:s13], [sflag:$0x3], $0x4000, $0x38;
	[tilespmem:$0x9C00] =	vst v63  }
0x42: {  	_ =	swait.ge [sflag:s10], $0x4000  }
0x43: {  	[sflag:s10] =	ssyncset.done $0x0  }
0x44: {  	[sflag:s10] =	ssyncadd.s32 $0xFFFFC000  }
0x45: {  	_ =	sfence.sel $0x180000  }
0x46: {  	[bflag:$0x0] =	sbarrier.arrive $0xFFFF  }
0x47: {  	p0 =	sne.s32 s0, $0x0;
	_ =	strace $0x90000047  }
0x48: {  	s0 =	sadd.s32 @!p0 $0x100000, s1;
	[bflag:$0x2] =	sbarrier.arrive $0xFFFF  }
0x49: {  	[sflag:s0] =	ssyncadd.tile.s32 @!p0 $0x1;
	_ =	shalt  }
.Lfunc_end2:
_tile_overlayer_lowered:
.L_overlay_start_2:
0x4a: {  	(tag) =	ssettag $0x2  }
0x4b: {  	s0 =	rddreg [dreg:$0x0];
	s2 =	stileid.u32  }
0x4c: {  	s1 =	rddreg [dreg:$0x1];
	p0 =	sne.s32 s2, $0x0  }
0x4d: {  	s3 =	rddreg [dreg:$0x2];
	[bflag:$0x3] =	sbarrier.arrive $0xFFFF;
	s2 =	simm.s32 @!p0 $0x1C03  }
0x4e: {  	[timem:s3], [sflag:s2] =	dma.local @!p0 [hbm:s0], s1  }
0x4f: {  	s0 =	simm.s32 @!p0 $0x3  }
0x50: {  	_ =	swait.ge @!p0 [sflag:s0], s1  }
0x51: {  	s1 =	ssub.s32 @!p0 $0x0, s1;
	[sflag:s0] =	ssyncset.done @!p0 $0x0  }
0x52: {  	[sflag:s0] =	ssyncadd.s32 @!p0 s1  }
0x53: {  	[bflag:$0x3] =	sbarrier.arrive $0xFFFF  }
0x54: {  	_ =	shalt  }

</sc_bundles>
